<compile_context>
chip_gen: v7x
topology: tpu7x:2x2x1
jax: 0.10.2.dev20260603
libtpu: 0.0.44.dev20260713+nightly
codegen_flags: <defaults>
</compile_context>

<pallas_src>
import jax
import jax.numpy as jnp
from jax import lax
from jax.experimental import pallas as pl
from jax.experimental.pallas import tpu as pltpu
from jax.experimental.pallas import tpu_sc as plsc

GRID = 90
R = GRID * GRID
D = 256
L = 16
NC, NS = 1, 16
NW = NC * NS

TC_BLK = 896
TC_NBLK = 8
TC_ROWS = TC_BLK * TC_NBLK

RPW = 64
NG = RPW // L
SC_BASE = TC_ROWS
LAST_START = ((R - RPW) // 8) * 8
TAIL = R - (LAST_START + RPW)
BIG_I = 2 ** 30


def _som_body(x_hbm, w_hbm, dist_out, idx_out, x_v, w_v, bd_v, bi_v, semw):
    c = lax.axis_index("c")
    s = lax.axis_index("s")
    wid = s * NC + c
    start = jnp.minimum(SC_BASE + wid * RPW, LAST_START)
    start = pl.multiple_of(start, 32)

    cpw = pltpu.make_async_copy(
        w_hbm.at[pl.ds(start, RPW)], w_v.at[pl.ds(0, RPW)], semw)
    cpw.start()
    pltpu.sync_copy(x_hbm, x_v)

    @pl.when(wid == NW - 1)
    def _():
        pltpu.sync_copy(w_hbm.at[pl.ds(LAST_START + RPW, TAIL)],
                        w_v.at[pl.ds(RPW, TAIL)])

    lane = lax.iota(jnp.int32, L)
    rows = [lane + g * L for g in range(NG + 1)]
    last = wid == NW - 1

    def feat_step(j, accs):
        cols = (lane + j) & (D - 1)
        xj = plsc.load_gather(x_v, [cols])
        out = []
        for g in range(NG + 1):
            wv = plsc.load_gather(w_v, [rows[g], cols])
            dv = wv - xj
            out.append(accs[g] + dv * dv)
        return tuple(out)

    cpw.wait()
    zero = jnp.zeros((L,), jnp.float32)
    accs = lax.fori_loop(0, D, feat_step, (zero,) * (NG + 1))

    best_d = jnp.full((L,), jnp.inf, jnp.float32)
    best_i = jnp.full((L,), BIG_I, jnp.int32)
    for g in range(NG + 1):
        gi = start.astype(jnp.int32) + rows[g]
        d = accs[g]
        better = ((d < best_d) | ((d == best_d) & (gi < best_i))) & (gi < R)
        if g == NG:
            better = better & last
        best_d = jnp.where(better, d, best_d)
        best_i = jnp.where(better, gi, best_i)

    bd_v[...] = best_d
    bi_v[...] = best_i
    pltpu.sync_copy(bd_v, dist_out.at[wid])
    pltpu.sync_copy(bi_v, idx_out.at[wid])


def _som_call(inputs, w):
    return pl.kernel(
        _som_body,
        mesh=plsc.VectorSubcoreMesh(core_axis_name="c", subcore_axis_name="s", num_cores=1),
        out_type=[
            jax.ShapeDtypeStruct((NW, L), jnp.float32),
            jax.ShapeDtypeStruct((NW, L), jnp.int32),
        ],
        scratch_types=[
            pltpu.VMEM((D,), jnp.float32),
            pltpu.VMEM((RPW + L, D), jnp.float32),
            pltpu.VMEM((L,), jnp.float32),
            pltpu.VMEM((L,), jnp.int32),
            pltpu.SemaphoreType.DMA,
        ],
        compiler_params=pltpu.CompilerParams(needs_layout_passes=False),
    )(inputs, w)


def _tc_body(x_ref, w_ref, od_ref, oi_ref):
    i = pl.program_id(0)
    dv = w_ref[...] - x_ref[...]
    acc = jnp.sum(dv * dv, axis=1, keepdims=True)
    ridx = lax.broadcasted_iota(jnp.int32, (TC_BLK, 1), 0) + i * TC_BLK
    m = jnp.min(acc)
    best = jnp.min(jnp.where(acc == m, ridx, BIG_I))
    od_ref[i, 0] = m
    oi_ref[i, 0] = best


def _tc_call(inputs, w):
    return pl.pallas_call(
        _tc_body,
        grid=(TC_NBLK,),
        in_specs=[
            pl.BlockSpec((1, D), lambda i: (0, 0)),
            pl.BlockSpec((TC_BLK, D), lambda i: (i, 0)),
        ],
        out_shape=[
            jax.ShapeDtypeStruct((TC_NBLK, 1), jnp.float32),
            jax.ShapeDtypeStruct((TC_NBLK, 1), jnp.int32),
        ],
        out_specs=[
            pl.BlockSpec(memory_space=pltpu.SMEM),
            pl.BlockSpec(memory_space=pltpu.SMEM),
        ],
    )(inputs.reshape(1, D), w)


def _merge_body(d_ref, i_ref, td_ref, ti_ref, o_ref):
    d = d_ref[...]
    i = i_ref[...]
    td = td_ref[...]
    ti = ti_ref[...]
    m = jnp.minimum(jnp.min(d), jnp.min(td))
    best = jnp.minimum(jnp.min(jnp.where(d == m, i, BIG_I)),
                       jnp.min(jnp.where(td == m, ti, BIG_I)))
    o_ref[0] = best // GRID
    o_ref[1] = best - (best // GRID) * GRID


def kernel(inputs, w):
    dists, idxs = _som_call(inputs, w)
    tc_d, tc_i = _tc_call(inputs, w)
    out = pl.pallas_call(
        _merge_body,
        out_shape=jax.ShapeDtypeStruct((2,), jnp.int32),
        out_specs=pl.BlockSpec(memory_space=pltpu.SMEM),
    )(dists, idxs, tc_d, tc_i)
    return out.astype(jnp.int64)

# --- scband reference (transcript-rebuilt; emitter-appended) ---
"""Pipeline reference for scband-somnetwork-64750926955039 (READ-ONLY COPY).

The authoritative reference and input builder live on the scoring server;
editing this copy changes nothing except your own understanding.
"""

import jax, jax.numpy as jnp
import numpy as np

DIM = 90
INPUT_DIM = 256


def setup_inputs(seed: int = 0) -> dict:
    key = jax.random.key(seed)
    k1, k2 = jax.random.split(key)
    inputs = jax.random.normal(k1, (INPUT_DIM,), dtype=jnp.float32)
    # SOM codebook: uniform in [-1, 1), shape [dim*dim, input_dim]
    w = jax.random.uniform(k2, (DIM * DIM, INPUT_DIM), dtype=jnp.float32, minval=-1.0, maxval=1.0)
    return {"inputs": inputs, "w": w}


def reference(inputs, w):
    # competition: L2 distance from the single input vector to every codebook row
    distance = jnp.sqrt(jnp.sum(jnp.square(inputs - w), axis=1))  # [dim*dim]
    win_index = jnp.argmin(distance, axis=0)
    # convert flat winner index to 2D grid coordinates (row, col)
    win_index_2d = jnp.stack(
        [win_index // DIM, win_index - (win_index // DIM) * DIM]
    ).astype(jnp.int64)
    return win_index_2d

if __name__ == "__main__":
    import jax
    _d = setup_inputs()
    print(jax.jit(kernel)(*tuple(_d.values())))

</pallas_src>

<mosaic_0001>
#map = affine_map<(d0, d1) -> (0)>
#map1 = affine_map<(d0, d1) -> (0, 0)>
module attributes {stable_mosaic.version = 14 : i64} {
  func.func @_som_body(%arg0: i32, %arg1: i32, %arg2: memref<256xf32, #tpu.memory_space<hbm>>, %arg3: memref<8100x256xf32, #tpu.memory_space<hbm>>, %arg4: memref<16x16xf32, #tpu.memory_space<hbm>>, %arg5: memref<16x16xi32, #tpu.memory_space<hbm>>, %arg6: memref<256xf32, #tpu.memory_space<vmem>>, %arg7: memref<80x256xf32, #tpu.memory_space<vmem>>, %arg8: memref<16xf32, #tpu.memory_space<vmem>>, %arg9: memref<16xi32, #tpu.memory_space<vmem>>, %arg10: memref<!tpu.dma_semaphore, #tpu.memory_space<semaphore_mem>>) attributes {dimension_semantics = [#tpu.dimension_semantics<core_parallel>, #tpu.dimension_semantics<subcore_parallel>], iteration_bounds = array<i64: 1, 16>, scalar_prefetch = 0 : i64, scratch_operands = 5 : i64, tpu.core_type = #tpu.core_type<sc_vector_subcore>, window_params = [{transform_indices = #map}, {transform_indices = #map1}, {transform_indices = #map1}, {transform_indices = #map1}]} {
    %mul3A = arith.constant 1 : i32
    %mul3A_0 = arith.muli %arg1, %mul3A : i32
    %add3A = arith.addi %mul3A_0, %arg0 : i32
    %mul3A_1 = arith.constant 64 : i32
    %mul3A_2 = arith.muli %add3A, %mul3A_1 : i32
    %add3A_3 = arith.constant 7168 : i32
    %add3A_4 = arith.addi %add3A_3, %mul3A_2 : i32
    %min3A = arith.constant 8032 : i32
    %min3A_5 = arith.minsi %add3A_4, %min3A : i32
    %multiple_of3A = tpu.assume_multiple %min3A_5, 32 : i32
    %dma_start3A = arith.constant 0 : i32
    %dma_start3A_6 = arith.constant 0 : i32
    %dma_start3A_7 = tpu.memref_slice %arg7[%dma_start3A, %dma_start3A_6] : memref<80x256xf32, #tpu.memory_space<vmem>> -> memref<64x256xf32, #tpu.memory_space<vmem>>
    %dma_start3A_8 = arith.constant 0 : i32
    %dma_start3A_9 = tpu.memref_slice %arg3[%multiple_of3A, %dma_start3A_8] : memref<8100x256xf32, #tpu.memory_space<hbm>> -> memref<64x256xf32, #tpu.memory_space<hbm>>
    %dma_start3A_10 = arith.constant 0 : i32
    %dma_start3A_11 = arith.constant 0 : i32
    %dma_start3A_12 = tpu.memref_slice %arg7[%dma_start3A_10, %dma_start3A_11] : memref<80x256xf32, #tpu.memory_space<vmem>> -> memref<64x256xf32, #tpu.memory_space<vmem>>
    %dma_start3A_13 = arith.constant 0 : i32
    %dma_start3A_14 = tpu.memref_slice %arg3[%multiple_of3A, %dma_start3A_13] : memref<8100x256xf32, #tpu.memory_space<hbm>> -> memref<64x256xf32, #tpu.memory_space<hbm>>
    tpu.enqueue_dma source(%dma_start3A_14 : memref<64x256xf32, #tpu.memory_space<hbm>>) target(%dma_start3A_12 : memref<64x256xf32, #tpu.memory_space<vmem>>) target_semaphore(%arg10 : memref<!tpu.dma_semaphore, #tpu.memory_space<semaphore_mem>>)
    "tpu.region"() ({
      %run_scoped3A = tpu.sem_alloc : memref<!tpu.dma_semaphore, #tpu.memory_space<semaphore_mem>>
      tpu.enqueue_dma source(%arg2 : memref<256xf32, #tpu.memory_space<hbm>>) target(%arg6 : memref<256xf32, #tpu.memory_space<vmem>>) target_semaphore(%run_scoped3A : memref<!tpu.dma_semaphore, #tpu.memory_space<semaphore_mem>>)
      tpu.wait_dma2 semaphore(%run_scoped3A : memref<!tpu.dma_semaphore, #tpu.memory_space<semaphore_mem>>) src(%arg2 : memref<256xf32, #tpu.memory_space<hbm>>) dst(%arg6 : memref<256xf32, #tpu.memory_space<vmem>>)
      tpu.yield
    }) : () -> ()
    %eq3A = arith.constant 15 : i32
    %eq3A_15 = arith.cmpi eq, %add3A, %eq3A : i32
    %convert_element_type3A = arith.extui %eq3A_15 : i1 to i32
    %cond3A = arith.constant 0 : i32
    %cond3A_16 = arith.cmpi ne, %convert_element_type3A, %cond3A : i32
    scf.if %cond3A_16 {
      "tpu.region"() ({
        %run_scoped3A = tpu.sem_alloc : memref<!tpu.dma_semaphore, #tpu.memory_space<semaphore_mem>>
        %dma_start3A_119 = arith.constant 64 : i32
        %dma_start3A_120 = arith.constant 0 : i32
        %dma_start3A_121 = tpu.memref_slice %arg7[%dma_start3A_119, %dma_start3A_120] : memref<80x256xf32, #tpu.memory_space<vmem>> -> memref<4x256xf32, #tpu.memory_space<vmem>>
        %dma_start3A_122 = arith.constant 8096 : i32
        %dma_start3A_123 = arith.constant 0 : i32
        %dma_start3A_124 = tpu.memref_slice %arg3[%dma_start3A_122, %dma_start3A_123] : memref<8100x256xf32, #tpu.memory_space<hbm>> -> memref<4x256xf32, #tpu.memory_space<hbm>>
        %dma_start3A_125 = arith.constant 64 : i32
        %dma_start3A_126 = arith.constant 0 : i32
        %dma_start3A_127 = tpu.memref_slice %arg7[%dma_start3A_125, %dma_start3A_126] : memref<80x256xf32, #tpu.memory_space<vmem>> -> memref<4x256xf32, #tpu.memory_space<vmem>>
        %dma_start3A_128 = arith.constant 8096 : i32
        %dma_start3A_129 = arith.constant 0 : i32
        %dma_start3A_130 = tpu.memref_slice %arg3[%dma_start3A_128, %dma_start3A_129] : memref<8100x256xf32, #tpu.memory_space<hbm>> -> memref<4x256xf32, #tpu.memory_space<hbm>>
        tpu.enqueue_dma source(%dma_start3A_130 : memref<4x256xf32, #tpu.memory_space<hbm>>) target(%dma_start3A_127 : memref<4x256xf32, #tpu.memory_space<vmem>>) target_semaphore(%run_scoped3A : memref<!tpu.dma_semaphore, #tpu.memory_space<semaphore_mem>>)
        %dma_wait3A_131 = arith.constant 64 : i32
        %dma_wait3A_132 = arith.constant 0 : i32
        %dma_wait3A_133 = tpu.memref_slice %arg7[%dma_wait3A_131, %dma_wait3A_132] : memref<80x256xf32, #tpu.memory_space<vmem>> -> memref<4x256xf32, #tpu.memory_space<vmem>>
        %dma_wait3A_134 = arith.constant 8096 : i32
        %dma_wait3A_135 = arith.constant 0 : i32
        %dma_wait3A_136 = tpu.memref_slice %arg3[%dma_wait3A_134, %dma_wait3A_135] : memref<8100x256xf32, #tpu.memory_space<hbm>> -> memref<4x256xf32, #tpu.memory_space<hbm>>
        %dma_wait3A_137 = arith.constant 64 : i32
        %dma_wait3A_138 = arith.constant 0 : i32
        %dma_wait3A_139 = tpu.memref_slice %arg7[%dma_wait3A_137, %dma_wait3A_138] : memref<80x256xf32, #tpu.memory_space<vmem>> -> memref<4x256xf32, #tpu.memory_space<vmem>>
        %dma_wait3A_140 = arith.constant 8096 : i32
        %dma_wait3A_141 = arith.constant 0 : i32
        %dma_wait3A_142 = tpu.memref_slice %arg3[%dma_wait3A_140, %dma_wait3A_141] : memref<8100x256xf32, #tpu.memory_space<hbm>> -> memref<4x256xf32, #tpu.memory_space<hbm>>
        tpu.wait_dma2 semaphore(%run_scoped3A : memref<!tpu.dma_semaphore, #tpu.memory_space<semaphore_mem>>) src(%dma_wait3A_142 : memref<4x256xf32, #tpu.memory_space<hbm>>) dst(%dma_wait3A_139 : memref<4x256xf32, #tpu.memory_space<vmem>>)
        tpu.yield
      }) : () -> ()
    } else {
    }
    %iota3A = tpu.iota {dimensions = array<i32: 0>} : vector<16xi32>
    %add3A_17 = arith.constant 0 : i32
    %add3A_18 = vector.broadcast %add3A_17 : i32 to vector<16xi32>
    %add3A_19 = arith.addi %iota3A, %add3A_18 : vector<16xi32>
    %add3A_20 = arith.constant 16 : i32
    %add3A_21 = vector.broadcast %add3A_20 : i32 to vector<16xi32>
    %add3A_22 = arith.addi %iota3A, %add3A_21 : vector<16xi32>
    %add3A_23 = arith.constant 32 : i32
    %add3A_24 = vector.broadcast %add3A_23 : i32 to vector<16xi32>
    %add3A_25 = arith.addi %iota3A, %add3A_24 : vector<16xi32>
    %add3A_26 = arith.constant 48 : i32
    %add3A_27 = vector.broadcast %add3A_26 : i32 to vector<16xi32>
    %add3A_28 = arith.addi %iota3A, %add3A_27 : vector<16xi32>
    %add3A_29 = arith.constant 64 : i32
    %add3A_30 = vector.broadcast %add3A_29 : i32 to vector<16xi32>
    %add3A_31 = arith.addi %iota3A, %add3A_30 : vector<16xi32>
    %eq3A_32 = arith.constant 15 : i32
    %eq3A_33 = arith.cmpi eq, %add3A, %eq3A_32 : i32
    %dma_wait3A = arith.constant 0 : i32
    %dma_wait3A_34 = arith.constant 0 : i32
    %dma_wait3A_35 = tpu.memref_slice %arg7[%dma_wait3A, %dma_wait3A_34] : memref<80x256xf32, #tpu.memory_space<vmem>> -> memref<64x256xf32, #tpu.memory_space<vmem>>
    %dma_wait3A_36 = arith.constant 0 : i32
    %dma_wait3A_37 = tpu.memref_slice %arg3[%multiple_of3A, %dma_wait3A_36] : memref<8100x256xf32, #tpu.memory_space<hbm>> -> memref<64x256xf32, #tpu.memory_space<hbm>>
    %dma_wait3A_38 = arith.constant 0 : i32
    %dma_wait3A_39 = arith.constant 0 : i32
    %dma_wait3A_40 = tpu.memref_slice %arg7[%dma_wait3A_38, %dma_wait3A_39] : memref<80x256xf32, #tpu.memory_space<vmem>> -> memref<64x256xf32, #tpu.memory_space<vmem>>
    %dma_wait3A_41 = arith.constant 0 : i32
    %dma_wait3A_42 = tpu.memref_slice %arg3[%multiple_of3A, %dma_wait3A_41] : memref<8100x256xf32, #tpu.memory_space<hbm>> -> memref<64x256xf32, #tpu.memory_space<hbm>>
    tpu.wait_dma2 semaphore(%arg10 : memref<!tpu.dma_semaphore, #tpu.memory_space<semaphore_mem>>) src(%dma_wait3A_42 : memref<64x256xf32, #tpu.memory_space<hbm>>) dst(%dma_wait3A_40 : memref<64x256xf32, #tpu.memory_space<vmem>>)
    %broadcast_in_dim3A = arith.constant 0.000000e+00 : f32
    %broadcast_in_dim3A_43 = vector.broadcast %broadcast_in_dim3A : f32 to vector<16xf32>
    %scan3A = arith.constant 0 : i32
    %scan3A_44 = arith.constant 256 : i32
    %scan3A_45 = arith.addi %scan3A, %scan3A_44 : i32
    %scan3A_46 = arith.constant 1 : i32
    %scan3A_47:5 = scf.for %scan3A_119 = %scan3A to %scan3A_45 step %scan3A_46 iter_args(%scan3A_120 = %broadcast_in_dim3A_43, %scan3A_121 = %broadcast_in_dim3A_43, %scan3A_122 = %broadcast_in_dim3A_43, %scan3A_123 = %broadcast_in_dim3A_43, %scan3A_124 = %broadcast_in_dim3A_43) -> (vector<16xf32>, vector<16xf32>, vector<16xf32>, vector<16xf32>, vector<16xf32>)  : i32 {
      %add3A_125 = vector.broadcast %scan3A_119 : i32 to vector<16xi32>
      %add3A_126 = arith.addi %iota3A, %add3A_125 : vector<16xi32>
      %and3A_127 = arith.constant 255 : i32
      %and3A_128 = vector.broadcast %and3A_127 : i32 to vector<16xi32>
      %and3A_129 = arith.andi %add3A_126, %and3A_128 : vector<16xi32>
      %gather3A = tpu.vector_load_idx %arg6[%and3A_129] : memref<256xf32, #tpu.memory_space<vmem>>[vector<16xi32>], vector<16xf32>,
      %gather3A_130 = tpu.vector_load_idx %arg7[%add3A_19, %and3A_129] : memref<80x256xf32, #tpu.memory_space<vmem>>[vector<16xi32>, vector<16xi32>], vector<16xf32>,
      %sub3A = arith.subf %gather3A_130, %gather3A : vector<16xf32>
      %mul3A_131 = arith.mulf %sub3A, %sub3A : vector<16xf32>
      %add3A_132 = arith.addf %scan3A_120, %mul3A_131 : vector<16xf32>
      %gather3A_133 = tpu.vector_load_idx %arg7[%add3A_22, %and3A_129] : memref<80x256xf32, #tpu.memory_space<vmem>>[vector<16xi32>, vector<16xi32>], vector<16xf32>,
      %sub3A_134 = arith.subf %gather3A_133, %gather3A : vector<16xf32>
      %mul3A_135 = arith.mulf %sub3A_134, %sub3A_134 : vector<16xf32>
      %add3A_136 = arith.addf %scan3A_121, %mul3A_135 : vector<16xf32>
      %gather3A_137 = tpu.vector_load_idx %arg7[%add3A_25, %and3A_129] : memref<80x256xf32, #tpu.memory_space<vmem>>[vector<16xi32>, vector<16xi32>], vector<16xf32>,
      %sub3A_138 = arith.subf %gather3A_137, %gather3A : vector<16xf32>
      %mul3A_139 = arith.mulf %sub3A_138, %sub3A_138 : vector<16xf32>
      %add3A_140 = arith.addf %scan3A_122, %mul3A_139 : vector<16xf32>
      %gather3A_141 = tpu.vector_load_idx %arg7[%add3A_28, %and3A_129] : memref<80x256xf32, #tpu.memory_space<vmem>>[vector<16xi32>, vector<16xi32>], vector<16xf32>,
      %sub3A_142 = arith.subf %gather3A_141, %gather3A : vector<16xf32>
      %mul3A_143 = arith.mulf %sub3A_142, %sub3A_142 : vector<16xf32>
      %add3A_144 = arith.addf %scan3A_123, %mul3A_143 : vector<16xf32>
      %gather3A_145 = tpu.vector_load_idx %arg7[%add3A_31, %and3A_129] : memref<80x256xf32, #tpu.memory_space<vmem>>[vector<16xi32>, vector<16xi32>], vector<16xf32>,
      %sub3A_146 = arith.subf %gather3A_145, %gather3A : vector<16xf32>
      %mul3A_147 = arith.mulf %sub3A_146, %sub3A_146 : vector<16xf32>
      %add3A_148 = arith.addf %scan3A_124, %mul3A_147 : vector<16xf32>
      scf.yield %add3A_132, %add3A_136, %add3A_140, %add3A_144, %add3A_148 : vector<16xf32>, vector<16xf32>, vector<16xf32>, vector<16xf32>, vector<16xf32>
    }
    %scan3A_48 = arith.constant 256 : i32
    %broadcast_in_dim3A_49 = arith.constant 0x7F800000 : f32
    %broadcast_in_dim3A_50 = vector.broadcast %broadcast_in_dim3A_49 : f32 to vector<16xf32>
    %broadcast_in_dim3A_51 = arith.constant 1073741824 : i32
    %broadcast_in_dim3A_52 = vector.broadcast %broadcast_in_dim3A_51 : i32 to vector<16xi32>
    %add3A_53 = vector.broadcast %multiple_of3A : i32 to vector<16xi32>
    %add3A_54 = arith.addi %add3A_53, %add3A_19 : vector<16xi32>
    %lt3A = arith.cmpf olt, %scan3A_47#0, %broadcast_in_dim3A_50 : vector<16xf32>
    %eq3A_55 = arith.cmpf oeq, %scan3A_47#0, %broadcast_in_dim3A_50 : vector<16xf32>
    %lt3A_56 = arith.cmpi slt, %add3A_54, %broadcast_in_dim3A_52 : vector<16xi32>
    %and3A = arith.andi %eq3A_55, %lt3A_56 : vector<16xi1>
    %or3A = arith.ori %lt3A, %and3A : vector<16xi1>
    %lt3A_57 = arith.constant 8100 : i32
    %lt3A_58 = vector.broadcast %lt3A_57 : i32 to vector<16xi32>
    %lt3A_59 = arith.cmpi slt, %add3A_54, %lt3A_58 : vector<16xi32>
    %and3A_60 = arith.andi %or3A, %lt3A_59 : vector<16xi1>
    %select_n3A = arith.select %and3A_60, %scan3A_47#0, %broadcast_in_dim3A_50 : vector<16xi1>, vector<16xf32>
    %select_n3A_61 = arith.select %and3A_60, %add3A_54, %broadcast_in_dim3A_52 : vector<16xi1>, vector<16xi32>
    %add3A_62 = vector.broadcast %multiple_of3A : i32 to vector<16xi32>
    %add3A_63 = arith.addi %add3A_62, %add3A_22 : vector<16xi32>
    %lt3A_64 = arith.cmpf olt, %scan3A_47#1, %select_n3A : vector<16xf32>
    %eq3A_65 = arith.cmpf oeq, %scan3A_47#1, %select_n3A : vector<16xf32>
    %lt3A_66 = arith.cmpi slt, %add3A_63, %select_n3A_61 : vector<16xi32>
    %and3A_67 = arith.andi %eq3A_65, %lt3A_66 : vector<16xi1>
    %or3A_68 = arith.ori %lt3A_64, %and3A_67 : vector<16xi1>
    %lt3A_69 = arith.constant 8100 : i32
    %lt3A_70 = vector.broadcast %lt3A_69 : i32 to vector<16xi32>
    %lt3A_71 = arith.cmpi slt, %add3A_63, %lt3A_70 : vector<16xi32>
    %and3A_72 = arith.andi %or3A_68, %lt3A_71 : vector<16xi1>
    %select_n3A_73 = arith.select %and3A_72, %scan3A_47#1, %select_n3A : vector<16xi1>, vector<16xf32>
    %select_n3A_74 = arith.select %and3A_72, %add3A_63, %select_n3A_61 : vector<16xi1>, vector<16xi32>
    %add3A_75 = vector.broadcast %multiple_of3A : i32 to vector<16xi32>
    %add3A_76 = arith.addi %add3A_75, %add3A_25 : vector<16xi32>
    %lt3A_77 = arith.cmpf olt, %scan3A_47#2, %select_n3A_73 : vector<16xf32>
    %eq3A_78 = arith.cmpf oeq, %scan3A_47#2, %select_n3A_73 : vector<16xf32>
    %lt3A_79 = arith.cmpi slt, %add3A_76, %select_n3A_74 : vector<16xi32>
    %and3A_80 = arith.andi %eq3A_78, %lt3A_79 : vector<16xi1>
    %or3A_81 = arith.ori %lt3A_77, %and3A_80 : vector<16xi1>
    %lt3A_82 = arith.constant 8100 : i32
    %lt3A_83 = vector.broadcast %lt3A_82 : i32 to vector<16xi32>
    %lt3A_84 = arith.cmpi slt, %add3A_76, %lt3A_83 : vector<16xi32>
    %and3A_85 = arith.andi %or3A_81, %lt3A_84 : vector<16xi1>
    %select_n3A_86 = arith.select %and3A_85, %scan3A_47#2, %select_n3A_73 : vector<16xi1>, vector<16xf32>
    %select_n3A_87 = arith.select %and3A_85, %add3A_76, %select_n3A_74 : vector<16xi1>, vector<16xi32>
    %add3A_88 = vector.broadcast %multiple_of3A : i32 to vector<16xi32>
    %add3A_89 = arith.addi %add3A_88, %add3A_28 : vector<16xi32>
    %lt3A_90 = arith.cmpf olt, %scan3A_47#3, %select_n3A_86 : vector<16xf32>
    %eq3A_91 = arith.cmpf oeq, %scan3A_47#3, %select_n3A_86 : vector<16xf32>
    %lt3A_92 = arith.cmpi slt, %add3A_89, %select_n3A_87 : vector<16xi32>
    %and3A_93 = arith.andi %eq3A_91, %lt3A_92 : vector<16xi1>
    %or3A_94 = arith.ori %lt3A_90, %and3A_93 : vector<16xi1>
    %lt3A_95 = arith.constant 8100 : i32
    %lt3A_96 = vector.broadcast %lt3A_95 : i32 to vector<16xi32>
    %lt3A_97 = arith.cmpi slt, %add3A_89, %lt3A_96 : vector<16xi32>
    %and3A_98 = arith.andi %or3A_94, %lt3A_97 : vector<16xi1>
    %select_n3A_99 = arith.select %and3A_98, %scan3A_47#3, %select_n3A_86 : vector<16xi1>, vector<16xf32>
    %select_n3A_100 = arith.select %and3A_98, %add3A_89, %select_n3A_87 : vector<16xi1>, vector<16xi32>
    %add3A_101 = vector.broadcast %multiple_of3A : i32 to vector<16xi32>
    %add3A_102 = arith.addi %add3A_101, %add3A_31 : vector<16xi32>
    %lt3A_103 = arith.cmpf olt, %scan3A_47#4, %select_n3A_99 : vector<16xf32>
    %eq3A_104 = arith.cmpf oeq, %scan3A_47#4, %select_n3A_99 : vector<16xf32>
    %lt3A_105 = arith.cmpi slt, %add3A_102, %select_n3A_100 : vector<16xi32>
    %and3A_106 = arith.andi %eq3A_104, %lt3A_105 : vector<16xi1>
    %or3A_107 = arith.ori %lt3A_103, %and3A_106 : vector<16xi1>
    %lt3A_108 = arith.constant 8100 : i32
    %lt3A_109 = vector.broadcast %lt3A_108 : i32 to vector<16xi32>
    %lt3A_110 = arith.cmpi slt, %add3A_102, %lt3A_109 : vector<16xi32>
    %and3A_111 = arith.andi %or3A_107, %lt3A_110 : vector<16xi1>
    %and3A_112 = vector.broadcast %eq3A_33 : i1 to vector<16xi1>
    %and3A_113 = arith.andi %and3A_111, %and3A_112 : vector<16xi1>
    %select_n3A_114 = arith.select %and3A_113, %scan3A_47#4, %select_n3A_99 : vector<16xi1>, vector<16xf32>
    %select_n3A_115 = arith.select %and3A_113, %add3A_102, %select_n3A_100 : vector<16xi1>, vector<16xi32>
    %swap3A = arith.constant 0 : index
    %swap3A_116 = tpu.vector_load %arg8[%swap3A] {strides = array<i32>} : memref<16xf32, #tpu.memory_space<vmem>>, vector<16xf32>,
    tpu.vector_store %arg8[%swap3A], %select_n3A_114 {strides = array<i32>} : memref<16xf32, #tpu.memory_space<vmem>>, vector<16xf32>,
    %swap3A_117 = arith.constant 0 : index
    %swap3A_118 = tpu.vector_load %arg9[%swap3A_117] {strides = array<i32>} : memref<16xi32, #tpu.memory_space<vmem>>, vector<16xi32>,
    tpu.vector_store %arg9[%swap3A_117], %select_n3A_115 {strides = array<i32>} : memref<16xi32, #tpu.memory_space<vmem>>, vector<16xi32>,
    "tpu.region"() ({
      %run_scoped3A = tpu.sem_alloc : memref<!tpu.dma_semaphore, #tpu.memory_space<semaphore_mem>>
      %dma_start3A_119 = arith.constant 0 : i32
      %dma_start3A_120 = tpu.memref_slice %arg4[%add3A, %dma_start3A_119] : memref<16x16xf32, #tpu.memory_space<hbm>> -> memref<1x16xf32, #tpu.memory_space<hbm>>
      %dma_start3A_121 = tpu.memref_squeeze %dma_start3A_120 : memref<1x16xf32, #tpu.memory_space<hbm>> -> memref<16xf32, #tpu.memory_space<hbm>>
      %dma_start3A_122 = arith.constant 0 : i32
      %dma_start3A_123 = tpu.memref_slice %arg4[%add3A, %dma_start3A_122] : memref<16x16xf32, #tpu.memory_space<hbm>> -> memref<1x16xf32, #tpu.memory_space<hbm>>
      %dma_start3A_124 = tpu.memref_squeeze %dma_start3A_123 : memref<1x16xf32, #tpu.memory_space<hbm>> -> memref<16xf32, #tpu.memory_space<hbm>>
      tpu.enqueue_dma source(%arg8 : memref<16xf32, #tpu.memory_space<vmem>>) target(%dma_start3A_124 : memref<16xf32, #tpu.memory_space<hbm>>) target_semaphore(%run_scoped3A : memref<!tpu.dma_semaphore, #tpu.memory_space<semaphore_mem>>)
      %dma_wait3A_125 = arith.constant 0 : i32
      %dma_wait3A_126 = tpu.memref_slice %arg4[%add3A, %dma_wait3A_125] : memref<16x16xf32, #tpu.memory_space<hbm>> -> memref<1x16xf32, #tpu.memory_space<hbm>>
      %dma_wait3A_127 = tpu.memref_squeeze %dma_wait3A_126 : memref<1x16xf32, #tpu.memory_space<hbm>> -> memref<16xf32, #tpu.memory_space<hbm>>
      %dma_wait3A_128 = arith.constant 0 : i32
      %dma_wait3A_129 = tpu.memref_slice %arg4[%add3A, %dma_wait3A_128] : memref<16x16xf32, #tpu.memory_space<hbm>> -> memref<1x16xf32, #tpu.memory_space<hbm>>
      %dma_wait3A_130 = tpu.memref_squeeze %dma_wait3A_129 : memref<1x16xf32, #tpu.memory_space<hbm>> -> memref<16xf32, #tpu.memory_space<hbm>>
      tpu.wait_dma2 semaphore(%run_scoped3A : memref<!tpu.dma_semaphore, #tpu.memory_space<semaphore_mem>>) src(%arg8 : memref<16xf32, #tpu.memory_space<vmem>>) dst(%dma_wait3A_130 : memref<16xf32, #tpu.memory_space<hbm>>)
      tpu.yield
    }) : () -> ()
    "tpu.region"() ({
      %run_scoped3A = tpu.sem_alloc : memref<!tpu.dma_semaphore, #tpu.memory_space<semaphore_mem>>
      %dma_start3A_119 = arith.constant 0 : i32
      %dma_start3A_120 = tpu.memref_slice %arg5[%add3A, %dma_start3A_119] : memref<16x16xi32, #tpu.memory_space<hbm>> -> memref<1x16xi32, #tpu.memory_space<hbm>>
      %dma_start3A_121 = tpu.memref_squeeze %dma_start3A_120 : memref<1x16xi32, #tpu.memory_space<hbm>> -> memref<16xi32, #tpu.memory_space<hbm>>
      %dma_start3A_122 = arith.constant 0 : i32
      %dma_start3A_123 = tpu.memref_slice %arg5[%add3A, %dma_start3A_122] : memref<16x16xi32, #tpu.memory_space<hbm>> -> memref<1x16xi32, #tpu.memory_space<hbm>>
      %dma_start3A_124 = tpu.memref_squeeze %dma_start3A_123 : memref<1x16xi32, #tpu.memory_space<hbm>> -> memref<16xi32, #tpu.memory_space<hbm>>
      tpu.enqueue_dma source(%arg9 : memref<16xi32, #tpu.memory_space<vmem>>) target(%dma_start3A_124 : memref<16xi32, #tpu.memory_space<hbm>>) target_semaphore(%run_scoped3A : memref<!tpu.dma_semaphore, #tpu.memory_space<semaphore_mem>>)
      %dma_wait3A_125 = arith.constant 0 : i32
      %dma_wait3A_126 = tpu.memref_slice %arg5[%add3A, %dma_wait3A_125] : memref<16x16xi32, #tpu.memory_space<hbm>> -> memref<1x16xi32, #tpu.memory_space<hbm>>
      %dma_wait3A_127 = tpu.memref_squeeze %dma_wait3A_126 : memref<1x16xi32, #tpu.memory_space<hbm>> -> memref<16xi32, #tpu.memory_space<hbm>>
      %dma_wait3A_128 = arith.constant 0 : i32
      %dma_wait3A_129 = tpu.memref_slice %arg5[%add3A, %dma_wait3A_128] : memref<16x16xi32, #tpu.memory_space<hbm>> -> memref<1x16xi32, #tpu.memory_space<hbm>>
      %dma_wait3A_130 = tpu.memref_squeeze %dma_wait3A_129 : memref<1x16xi32, #tpu.memory_space<hbm>> -> memref<16xi32, #tpu.memory_space<hbm>>
      tpu.wait_dma2 semaphore(%run_scoped3A : memref<!tpu.dma_semaphore, #tpu.memory_space<semaphore_mem>>) src(%arg9 : memref<16xi32, #tpu.memory_space<vmem>>) dst(%dma_wait3A_130 : memref<16xi32, #tpu.memory_space<hbm>>)
      tpu.yield
    }) : () -> ()
    return
  }
}

module attributes {stable_mosaic.version = 14 : i64} {
  func.func @_tc_body(%arg0: i32, %arg1: memref<1x256xf32, #tpu.memory_space<vmem>>, %arg2: memref<896x256xf32, #tpu.memory_space<vmem>>, %arg3: memref<8x1xf32, #tpu.memory_space<smem>>, %arg4: memref<8x1xi32, #tpu.memory_space<smem>>) attributes {dimension_semantics = [#tpu.dimension_semantics<arbitrary>], iteration_bounds = array<i64: 8>, scalar_prefetch = 0 : i64, scratch_operands = 0 : i64, tpu.core_type = #tpu.core_type<tc>, window_params = [{pipeline_mode = #tpu.pipeline_mode<synchronous>, transform_indices = @transform_0, window_bounds = array<i64: 1, 256>}, {transform_indices = @transform_1, window_bounds = array<i64: 896, 256>}, {transform_indices = @transform_2, window_bounds = array<i64: 8, 1>}, {transform_indices = @transform_3, window_bounds = array<i64: 8, 1>}]} {
    %get3A = arith.constant 0 : index
    %get3A_0 = arith.constant 0 : index
    %get3A_1 = vector.load %arg2[%get3A, %get3A_0] : memref<896x256xf32, #tpu.memory_space<vmem>>, vector<896x256xf32>
    %get3A_2 = arith.constant 0 : index
    %get3A_3 = arith.constant 0 : index
    %get3A_4 = vector.load %arg1[%get3A_2, %get3A_3] : memref<1x256xf32, #tpu.memory_space<vmem>>, vector<1x256xf32>
    %sub3A = vector.broadcast %get3A_4 : vector<1x256xf32> to vector<896x256xf32>
    %sub3A_5 = arith.subf %get3A_1, %sub3A : vector<896x256xf32>
    %mul3A = arith.mulf %sub3A_5, %sub3A_5 : vector<896x256xf32>
    %reduce_sum3A = arith.constant dense<0.000000e+00> : vector<896xf32>
    %reduce_sum3A_6 = vector.multi_reduction <add>, %mul3A, %reduce_sum3A [1] : vector<896x256xf32> to vector<896xf32>
    %broadcast_in_dim3A = vector.shape_cast %reduce_sum3A_6 : vector<896xf32> to vector<896x1xf32>
    %iota3A = tpu.iota {dimensions = array<i32: 0>} : vector<896x1xi32>
    %mul3A_7 = arith.constant 896 : i32
    %mul3A_8 = arith.muli %arg0, %mul3A_7 : i32
    %add3A = vector.broadcast %mul3A_8 : i32 to vector<896x1xi32>
    %add3A_9 = arith.addi %iota3A, %add3A : vector<896x1xi32>
    %reduce_min3A = vector.shape_cast %broadcast_in_dim3A : vector<896x1xf32> to vector<1x896x1xf32>
    %reduce_min3A_10 = arith.constant dense<0x7F800000> : vector<1xf32>
    %reduce_min3A_11 = vector.multi_reduction <minimumf>, %reduce_min3A, %reduce_min3A_10 [1, 2] : vector<1x896x1xf32> to vector<1xf32>
    %reduce_min3A_12 = vector.shape_cast %reduce_min3A_11 : vector<1xf32> to vector<1x1x1xf32>
    %reduce_min3A_13 = vector.extract %reduce_min3A_12[0, 0, 0] : f32 from vector<1x1x1xf32>
    %eq3A = vector.broadcast %reduce_min3A_13 : f32 to vector<896x1xf32>
    %eq3A_14 = arith.cmpf oeq, %broadcast_in_dim3A, %eq3A : vector<896x1xf32>
    %jit3A = arith.constant 1073741824 : i32
    %broadcast_in_dim3A_15 = vector.broadcast %jit3A : i32 to vector<896x1xi32>
    %select_n3A = arith.select %eq3A_14, %add3A_9, %broadcast_in_dim3A_15 : vector<896x1xi1>, vector<896x1xi32>
    %reduce_min3A_16 = vector.shape_cast %select_n3A : vector<896x1xi32> to vector<1x896x1xi32>
    %reduce_min3A_17 = arith.constant dense<2147483647> : vector<1xi32>
    %reduce_min3A_18 = vector.multi_reduction <minsi>, %reduce_min3A_16, %reduce_min3A_17 [1, 2] : vector<1x896x1xi32> to vector<1xi32>
    %reduce_min3A_19 = vector.shape_cast %reduce_min3A_18 : vector<1xi32> to vector<1x1x1xi32>
    %reduce_min3A_20 = vector.extract %reduce_min3A_19[0, 0, 0] : i32 from vector<1x1x1xi32>
    %swap3A = arith.index_cast %arg0 : i32 to index
    %swap3A_21 = arith.constant 0 : index
    %swap3A_22 = memref.load %arg3[%swap3A, %swap3A_21] : memref<8x1xf32, #tpu.memory_space<smem>>
    memref.store %reduce_min3A_13, %arg3[%swap3A, %swap3A_21] : memref<8x1xf32, #tpu.memory_space<smem>>
    %swap3A_23 = arith.index_cast %arg0 : i32 to index
    %swap3A_24 = arith.constant 0 : index
    %swap3A_25 = memref.load %arg4[%swap3A_23, %swap3A_24] : memref<8x1xi32, #tpu.memory_space<smem>>
    memref.store %reduce_min3A_20, %arg4[%swap3A_23, %swap3A_24] : memref<8x1xi32, #tpu.memory_space<smem>>
    return
  }
  func.func @transform_0(%arg0: i32) -> (i32, i32) {
    %c0_i32 = arith.constant 0 : i32
    %c0_i32_0 = arith.constant 0 : i32
    %c0_i32_1 = arith.constant 0 : i32
    return %c0_i32, %c0_i32_0 : i32, i32
  }
  func.func @transform_1(%arg0: i32) -> (i32, i32) {
    %c0_i32 = arith.constant 0 : i32
    %c0_i32_0 = arith.constant 0 : i32
    return %arg0, %c0_i32 : i32, i32
  }
  func.func @transform_2(%arg0: i32) -> (i32, i32) {
    %c0_i32 = arith.constant 0 : i32
    %c0_i32_0 = arith.constant 0 : i32
    %c0_i32_1 = arith.constant 0 : i32
    return %c0_i32, %c0_i32_0 : i32, i32
  }
  func.func @transform_3(%arg0: i32) -> (i32, i32) {
    %c0_i32 = arith.constant 0 : i32
    %c0_i32_0 = arith.constant 0 : i32
    %c0_i32_1 = arith.constant 0 : i32
    return %c0_i32, %c0_i32_0 : i32, i32
  }
}

module attributes {stable_mosaic.version = 14 : i64} {
  func.func @_merge_body(%arg0: memref<16x16xf32, #tpu.memory_space<vmem>>, %arg1: memref<16x16xi32, #tpu.memory_space<vmem>>, %arg2: memref<8x1xf32, #tpu.memory_space<vmem>>, %arg3: memref<8x1xi32, #tpu.memory_space<vmem>>, %arg4: memref<2xi32, #tpu.memory_space<smem>>) attributes {dimension_semantics = [], scalar_prefetch = 0 : i64, scratch_operands = 0 : i64, tpu.core_type = #tpu.core_type<tc>} {
    %get3A = arith.constant 0 : index
    %get3A_0 = arith.constant 0 : index
    %get3A_1 = vector.load %arg0[%get3A, %get3A_0] : memref<16x16xf32, #tpu.memory_space<vmem>>, vector<16x16xf32>
    %get3A_2 = arith.constant 0 : index
    %get3A_3 = arith.constant 0 : index
    %get3A_4 = vector.load %arg1[%get3A_2, %get3A_3] : memref<16x16xi32, #tpu.memory_space<vmem>>, vector<16x16xi32>
    %get3A_5 = arith.constant 0 : index
    %get3A_6 = arith.constant 0 : index
    %get3A_7 = vector.load %arg2[%get3A_5, %get3A_6] : memref<8x1xf32, #tpu.memory_space<vmem>>, vector<8x1xf32>
    %get3A_8 = arith.constant 0 : index
    %get3A_9 = arith.constant 0 : index
    %get3A_10 = vector.load %arg3[%get3A_8, %get3A_9] : memref<8x1xi32, #tpu.memory_space<vmem>>, vector<8x1xi32>
    %reduce_min3A = vector.shape_cast %get3A_1 : vector<16x16xf32> to vector<1x16x16xf32>
    %reduce_min3A_11 = arith.constant dense<0x7F800000> : vector<1xf32>
    %reduce_min3A_12 = vector.multi_reduction <minimumf>, %reduce_min3A, %reduce_min3A_11 [1, 2] : vector<1x16x16xf32> to vector<1xf32>
    %reduce_min3A_13 = vector.shape_cast %reduce_min3A_12 : vector<1xf32> to vector<1x1x1xf32>
    %reduce_min3A_14 = vector.extract %reduce_min3A_13[0, 0, 0] : f32 from vector<1x1x1xf32>
    %reduce_min3A_15 = vector.shape_cast %get3A_7 : vector<8x1xf32> to vector<1x8x1xf32>
    %reduce_min3A_16 = arith.constant dense<0x7F800000> : vector<1xf32>
    %reduce_min3A_17 = vector.multi_reduction <minimumf>, %reduce_min3A_15, %reduce_min3A_16 [1, 2] : vector<1x8x1xf32> to vector<1xf32>
    %reduce_min3A_18 = vector.shape_cast %reduce_min3A_17 : vector<1xf32> to vector<1x1x1xf32>
    %reduce_min3A_19 = vector.extract %reduce_min3A_18[0, 0, 0] : f32 from vector<1x1x1xf32>
    %min3A = arith.minimumf %reduce_min3A_14, %reduce_min3A_19 : f32
    %eq3A = vector.broadcast %min3A : f32 to vector<16x16xf32>
    %eq3A_20 = arith.cmpf oeq, %get3A_1, %eq3A : vector<16x16xf32>
    %jit3A = arith.constant 1073741824 : i32
    %broadcast_in_dim3A = vector.broadcast %jit3A : i32 to vector<16x16xi32>
    %select_n3A = arith.select %eq3A_20, %get3A_4, %broadcast_in_dim3A : vector<16x16xi1>, vector<16x16xi32>
    %reduce_min3A_21 = vector.shape_cast %select_n3A : vector<16x16xi32> to vector<1x16x16xi32>
    %reduce_min3A_22 = arith.constant dense<2147483647> : vector<1xi32>
    %reduce_min3A_23 = vector.multi_reduction <minsi>, %reduce_min3A_21, %reduce_min3A_22 [1, 2] : vector<1x16x16xi32> to vector<1xi32>
    %reduce_min3A_24 = vector.shape_cast %reduce_min3A_23 : vector<1xi32> to vector<1x1x1xi32>
    %reduce_min3A_25 = vector.extract %reduce_min3A_24[0, 0, 0] : i32 from vector<1x1x1xi32>
    %eq3A_26 = vector.broadcast %min3A : f32 to vector<8x1xf32>
    %eq3A_27 = arith.cmpf oeq, %get3A_7, %eq3A_26 : vector<8x1xf32>
    %jit3A_28 = arith.constant 1073741824 : i32
    %broadcast_in_dim3A_29 = vector.broadcast %jit3A_28 : i32 to vector<8x1xi32>
    %select_n3A_30 = arith.select %eq3A_27, %get3A_10, %broadcast_in_dim3A_29 : vector<8x1xi1>, vector<8x1xi32>
    %reduce_min3A_31 = vector.shape_cast %select_n3A_30 : vector<8x1xi32> to vector<1x8x1xi32>
    %reduce_min3A_32 = arith.constant dense<2147483647> : vector<1xi32>
    %reduce_min3A_33 = vector.multi_reduction <minsi>, %reduce_min3A_31, %reduce_min3A_32 [1, 2] : vector<1x8x1xi32> to vector<1xi32>
    %reduce_min3A_34 = vector.shape_cast %reduce_min3A_33 : vector<1xi32> to vector<1x1x1xi32>
    %reduce_min3A_35 = vector.extract %reduce_min3A_34[0, 0, 0] : i32 from vector<1x1x1xi32>
    %min3A_36 = arith.minsi %reduce_min3A_25, %reduce_min3A_35 : i32
    %jit3A_37 = arith.constant 90 : i32
    %div3A = arith.divsi %min3A_36, %jit3A_37 : i32
    %sign3A = arith.constant 0 : i32
    %sign3A_38 = arith.cmpi sgt, %min3A_36, %sign3A : i32
    %sign3A_39 = arith.extui %sign3A_38 : i1 to i32
    %sign3A_40 = arith.constant 0 : i32
    %sign3A_41 = arith.cmpi slt, %min3A_36, %sign3A_40 : i32
    %sign3A_42 = arith.extui %sign3A_41 : i1 to i32
    %sign3A_43 = arith.subi %sign3A_39, %sign3A_42 : i32
    %sign3A_44 = arith.constant 0 : i32
    %sign3A_45 = arith.cmpi sgt, %jit3A_37, %sign3A_44 : i32
    %sign3A_46 = arith.extui %sign3A_45 : i1 to i32
    %sign3A_47 = arith.constant 0 : i32
    %sign3A_48 = arith.cmpi slt, %jit3A_37, %sign3A_47 : i32
    %sign3A_49 = arith.extui %sign3A_48 : i1 to i32
    %sign3A_50 = arith.subi %sign3A_46, %sign3A_49 : i32
    %ne3A = arith.cmpi ne, %sign3A_43, %sign3A_50 : i32
    %rem3A = arith.remsi %min3A_36, %jit3A_37 : i32
    %ne3A_51 = arith.constant 0 : i32
    %ne3A_52 = arith.cmpi ne, %rem3A, %ne3A_51 : i32
    %and3A = arith.andi %ne3A, %ne3A_52 : i1
    %sub3A = arith.constant 1 : i32
    %sub3A_53 = arith.subi %div3A, %sub3A : i32
    %select_n3A_54 = arith.select %and3A, %sub3A_53, %div3A : i32
    %swap3A = arith.constant 0 : index
    %swap3A_55 = memref.load %arg4[%swap3A] : memref<2xi32, #tpu.memory_space<smem>>
    memref.store %select_n3A_54, %arg4[%swap3A] : memref<2xi32, #tpu.memory_space<smem>>
    %jit3A_56 = arith.constant 90 : i32
    %div3A_57 = arith.divsi %min3A_36, %jit3A_56 : i32
    %sign3A_58 = arith.constant 0 : i32
    %sign3A_59 = arith.cmpi sgt, %min3A_36, %sign3A_58 : i32
    %sign3A_60 = arith.extui %sign3A_59 : i1 to i32
    %sign3A_61 = arith.constant 0 : i32
    %sign3A_62 = arith.cmpi slt, %min3A_36, %sign3A_61 : i32
    %sign3A_63 = arith.extui %sign3A_62 : i1 to i32
    %sign3A_64 = arith.subi %sign3A_60, %sign3A_63 : i32
    %sign3A_65 = arith.constant 0 : i32
    %sign3A_66 = arith.cmpi sgt, %jit3A_56, %sign3A_65 : i32
    %sign3A_67 = arith.extui %sign3A_66 : i1 to i32
    %sign3A_68 = arith.constant 0 : i32
    %sign3A_69 = arith.cmpi slt, %jit3A_56, %sign3A_68 : i32
    %sign3A_70 = arith.extui %sign3A_69 : i1 to i32
    %sign3A_71 = arith.subi %sign3A_67, %sign3A_70 : i32
    %ne3A_72 = arith.cmpi ne, %sign3A_64, %sign3A_71 : i32
    %rem3A_73 = arith.remsi %min3A_36, %jit3A_56 : i32
    %ne3A_74 = arith.constant 0 : i32
    %ne3A_75 = arith.cmpi ne, %rem3A_73, %ne3A_74 : i32
    %and3A_76 = arith.andi %ne3A_72, %ne3A_75 : i1
    %sub3A_77 = arith.constant 1 : i32
    %sub3A_78 = arith.subi %div3A_57, %sub3A_77 : i32
    %select_n3A_79 = arith.select %and3A_76, %sub3A_78, %div3A_57 : i32
    %mul3A = arith.constant 90 : i32
    %mul3A_80 = arith.muli %select_n3A_79, %mul3A : i32
    %sub3A_81 = arith.subi %min3A_36, %mul3A_80 : i32
    %swap3A_82 = arith.constant 1 : index
    %swap3A_83 = memref.load %arg4[%swap3A_82] : memref<2xi32, #tpu.memory_space<smem>>
    memref.store %sub3A_81, %arg4[%swap3A_82] : memref<2xi32, #tpu.memory_space<smem>>
    return
  }
}

</mosaic_0001>

<sc_bundles>
// kernel: kernel.5.cloned.1.call-start
scs
__scs_entry_jumppad:
0x0: {  	(pc) =	sbr.rel $0x88, $3  }
0x1: {  	(tag) =	ssettag $0x0;
	lr =	simm.s32 $0x1  }
0x2: {  	[smem:$0x3F9F] =	sst lr;
	_ =	strace $0xD0000000  }
0x3: {  	_ = 	snop  }
0x4: {  	_ = 	snop  }
0x5: {  	_ = 	snop  }
0x6: {  	_ = 	snop  }
0x7: {  	_ = 	snop  }
__scs_overlays_trampoline_lowered:
0x8: {  	[smem:$0x3FAE] =	sst s0  }
0x9: {  	[smem:$0x3FAF] =	sst s1  }
0xa: {  	[smem:$0x3FB0] =	sst s2  }
0xb: {  	[smem:$0x3FB1] =	sst s3  }
0xc: {  	[smem:$0x3FB2] =	sst s4  }
0xd: {  	[smem:$0x3FB3] =	sst s5  }
0xe: {  	[smem:$0x3FB4] =	sst s6  }
0xf: {  	[smem:$0x3FB5] =	sst s7  }
0x10: {  	[smem:$0x3FB6] =	sst s8  }
0x11: {  	[smem:$0x3FB7] =	sst s9;
	s0 =	simm.s32 @!p0 $0x0  }
0x12: {  	s1 =	sld [smem:$0x3F9D];
	s0 =	simm.s32 @p0 $0x1  }
0x13: {  	[smem:$0x3FB8] =	sst s0;
	s0 =	simm.s32 @!p1 $0x0  }
0x14: {  	s2 =	sld [smem:$0x3F9C];
	s0 =	simm.s32 @p1 $0x1  }
0x15: {  	[smem:$0x3FB9] =	sst s0;
	s0 =	simm.s32 @!p2 $0x0  }
0x16: {  	s3 =	sld [smem:$0x3FDB];
	s0 =	simm.s32 @p2 $0x1  }
0x17: {  	s4 =	simm.s32 $0x1BF5;
	[smem:$0x3FBB] =	sst s0  }
0x18: {  	s0 =	sld [smem:$0x3F9E];
	_ =	swait.ge [sflag:s4], $0x0  }
0x19: {  	s7 =	sld [smem:$0x3F9F]  }
0x1a: {  	s8 =	sadd.s32 $0xFFFFE003, lr  }
0x1b: {  	s9 =	sadd.s32 $0xFFFFFEF7, lr;
	s5 =	simm.s32 $0xFFFFFFFF;
	p2 =	slt.u32 s8, $0xFFFFF086  }
0x1c: {  	p1 =	slt.u32 s9, $0xF7A;
	s5 =	simm.s32 @!p2 $0x0  }
0x1d: {  	s5 =	simm.s32 @p1 $0x1;
	p0 =	seq.s32 s7, s2  }
0x1e: {  	s7 =	smul.u32 @!p0 $0xF7A, s2;
	p2 =	seq.s32 @!p0 s5, $0x0  }
0x1f: {  	s9 =	smul.u32 $0xF7A, s1;
	s8 =	simm.s32 @!p0 $0x1BF5;
	p2 =	por !p2, p0  }
0x20: {  	[sflag:s8] =	ssyncset.s32 @!p0 $0xFFFFF086;
	s6 =	sadd.s32 @!p0 s3, s7;
	s7 =	simm.s32 @!p0 $0x108  }
0x21: {  	s3 =	sadd.s32 s3, s9;
	s6 =	sadd.s32 @!p0 $0x88, s6;
	s7 =	simm.s32 @p2 $0x1082  }
0x22: {  	[simem:s7], [sflag:s8] =	dma.local @!p0 [hbm:s6], $0xF7A  }
0x23: {  	s9 =	sor.u32 $0xD0000000, s2;
	s6 =	simm.s32 $0x108;
	_ =	swait.ge @!p0 [sflag:s8], $0x0  }
0x24: {  	s3 =	sadd.s32 $0x88, s3;
	s6 =	simm.s32 @!p1 $0x1082;
	[sflag:s4] =	ssyncset.s32 $0xFFFFF086  }
0x25: {  	[simem:s6], [sflag:s4] =	dma.local [hbm:s3], $0xF7A  }
0x26: {  	[smem:$0x3F9F] =	sst s1;
	(tag) =	ssettag s2;
	_ =	strace s9  }
0x27: {  	s1 =	sld [smem:$0x3FAF]  }
0x28: {  	s2 =	sld [smem:$0x3FB0]  }
0x29: {  	s4 =	sld [smem:$0x3FB2]  }
0x2a: {  	p0 =	seq.s32 s5, $0x0;
	s5 =	sld [smem:$0x3FB3]  }
0x2b: {  	s6 =	sld [smem:$0x3FB4]  }
0x2c: {  	s7 =	sld [smem:$0x3FB5]  }
0x2d: {  	s3 =	simm.s32 $0x108;
	s8 =	sld [smem:$0x3FB6]  }
0x2e: {  	s3 =	simm.s32 @!p0 $0x1082;
	s9 =	sld [smem:$0x3FB7]  }
0x2f: {  	lr =	sadd.s32 s0, s3;
	s0 =	sld [smem:$0x3FAE]  }
0x30: {  	s3 =	sld [smem:$0x3FB1]  }
0x31: {  	[smem:$0x3FBA] =	sst s10  }
0x32: {  	s10 =	sld [smem:$0x3FB8];
	_ =	sdelay $0x3  }
0x33: {  	p0 =	seq.s32 s10, $0x1;
	s10 =	sld [smem:$0x3FBA];
	_ =	sdelay $0x3  }
0x34: {  	[smem:$0x3FBA] =	sst s10  }
0x35: {  	s10 =	sld [smem:$0x3FB9];
	_ =	sdelay $0x3  }
0x36: {  	p1 =	seq.s32 s10, $0x1;
	s10 =	sld [smem:$0x3FBA];
	_ =	sdelay $0x3  }
0x37: {  	[smem:$0x3FBA] =	sst s10  }
0x38: {  	s10 =	sld [smem:$0x3FBB]  }
0x39: {  	_ = 	snop;
	(pc) =	sbr.ind lr, $3  }
0x3a: {  	_ = 	snop  }
0x3b: {  	_ = 	snop  }
0x3c: {  	p2 =	seq.s32 s10, $0x1;
	s10 =	sld [smem:$0x3FBA]  }
0x3d: {  	_ =	shalt  }
0x3e: {  	_ =	shalt  }
0x3f: {  	_ =	shalt  }
0x40: {  	_ =	shalt  }
0x41: {  	_ =	shalt  }
0x42: {  	_ =	shalt  }
0x43: {  	_ =	shalt  }
0x44: {  	_ =	shalt  }
0x45: {  	_ =	shalt  }
0x46: {  	_ =	shalt  }
0x47: {  	_ =	shalt  }
0x48: {  	_ =	shalt  }
0x49: {  	_ =	shalt  }
0x4a: {  	_ =	shalt  }
0x4b: {  	_ =	shalt  }
0x4c: {  	_ =	shalt  }
0x4d: {  	_ =	shalt  }
0x4e: {  	_ =	shalt  }
0x4f: {  	_ =	shalt  }
0x50: {  	_ =	shalt  }
0x51: {  	_ =	shalt  }
0x52: {  	_ =	shalt  }
0x53: {  	_ =	shalt  }
0x54: {  	_ =	shalt  }
0x55: {  	_ =	shalt  }
0x56: {  	_ =	shalt  }
0x57: {  	_ =	shalt  }
0x58: {  	_ =	shalt  }
0x59: {  	_ =	shalt  }
0x5a: {  	_ =	shalt  }
0x5b: {  	_ =	shalt  }
0x5c: {  	_ =	shalt  }
0x5d: {  	_ =	shalt  }
0x5e: {  	_ =	shalt  }
0x5f: {  	_ =	shalt  }
0x60: {  	_ =	shalt  }
0x61: {  	_ =	shalt  }
0x62: {  	_ =	shalt  }
0x63: {  	_ =	shalt  }
0x64: {  	_ =	shalt  }
0x65: {  	_ =	shalt  }
0x66: {  	_ =	shalt  }
0x67: {  	_ =	shalt  }
0x68: {  	_ =	shalt  }
0x69: {  	_ =	shalt  }
0x6a: {  	_ =	shalt  }
0x6b: {  	_ =	shalt  }
0x6c: {  	_ =	shalt  }
0x6d: {  	_ =	shalt  }
0x6e: {  	_ =	shalt  }
0x6f: {  	_ =	shalt  }
0x70: {  	_ =	shalt  }
0x71: {  	_ =	shalt  }
0x72: {  	_ =	shalt  }
0x73: {  	_ =	shalt  }
0x74: {  	_ =	shalt  }
0x75: {  	_ =	shalt  }
0x76: {  	_ =	shalt  }
0x77: {  	_ =	shalt  }
0x78: {  	_ =	shalt  }
0x79: {  	_ =	shalt  }
0x7a: {  	_ =	shalt  }
0x7b: {  	_ =	shalt  }
0x7c: {  	_ =	shalt  }
0x7d: {  	_ =	shalt  }
0x7e: {  	_ =	shalt  }
0x7f: {  	_ =	shalt  }
0x80: {  	_ =	shalt  }
0x81: {  	_ =	shalt  }
0x82: {  	_ =	shalt  }
0x83: {  	_ =	shalt  }
0x84: {  	_ =	shalt  }
0x85: {  	_ =	shalt  }
0x86: {  	_ =	shalt  }
0x87: {  	_ =	shalt  }
.Lfunc_end0:
.L_simem_size_0:
called_computation_lowered:
.L_overlay_start_0:
0x88: {  	s0 =	sld [smem:$0x3FD9]  }
0x89: {  	s1 =	sld [smem:$0x3FFE];
	_ =	sdelay $0x3  }
0x8a: {  	s0 =	sadd.s32 s1, s0  }
0x8b: {  	[smem:$0x3FC6] =	sst s0  }
0x8c: {  	_ = 	snop  }
0x8d: {  	s0 =	sld [smem:$0x3FC9]  }
0x8e: {  	s16 =	sld [smem:$0x3FC8];
	(tm) =	ssettm $0x1  }
0x8f: {  	s2 =	sld [smem:$0x3FFB];
	_ =	sdelay $0x3  }
0x90: {  	_ =	strace s2  }
0x91: {  	s2 =	sld [smem:$0x3FFC];
	_ =	sdelay $0x3  }
0x92: {  	_ =	strace s2  }
0x93: {  	s2 =	sld [smem:$0x3FFD];
	_ =	sdelay $0x3  }
0x94: {  	_ =	strace s2  }
0x95: {  	_ =	strace $0x8FFFFFFF  }
0x96: {  	s17 =	sld [smem:$0x3FDB];
	_ =	sdelay $0x1  }
0x97: {  	s3 =	simm.s32 $_scs_section_size  }
0x98: {  	s4 =	simm.s32 $_size__tile_overlayer_lowered;
	s5 =	simm.s32 $_tile_overlayer_lowered  }
0x99: {  	s20 =	simm.s32 $0x1BFF;
	s19 =	sshll.u32 s5, $0x1;
	s2 =	sadd.s32 s3, s17  }
0x9a: {  	s6 =	simm.s32 $0x0;
	s18 =	sshll.u32 s4, $0x1;
	s4 =	sadd.s32 s19, s2  }
0x9b: {  	[timem:s6], [sflag:s20] =	dma.local [hbm:s4], s18  }
0x9c: {  	_ =	swait.ge [sflag:s20], s18  }
0x9d: {  	s3 =	ssub.s32 $0x0, s18;
	[sflag:s20] =	ssyncset.done $0x0  }
0x9e: {  	[sflag:s20] =	ssyncadd.s32 s3;
	_ =	sdelay $0x1  }
0x9f: {  	s21 =	simm.s32 $0x1B8B  }
0xa0: {  	_ =	swait.ge [sflag:s21], $0x1  }
0xa1: {  	[sflag:s21] =	ssyncset.done $0x0  }
0xa2: {  	s23 =	simm.s32 $0x1B8E;
	s22 =	sld [smem:$0x3FFE];
	[sflag:s21] =	ssyncadd.s32 $0xFFFFFFFF  }
0xa3: {  	s24 =	simm.s32 $execute0_lowered;
	[smem:$0x3FD2] =	sst s23  }
0xa4: {  	s4 =	sshll.u32 s24, $0x1;
	_ =	strace $0x80000046;
	[dreg:$0x1] =	wrdreg $0xFFFFFFFF  }
0xa5: {  	s25 =	simm.s32 $_size_execute0_lowered;
	s2 =	sadd.s32 s2, s4;
	[dreg:$0x0] =	wrdreg $0x0  }
0xa6: {  	s4 =	sshll.u32 s25, $0x1;
	[dreg:$0x2] =	wrdreg s2  }
0xa7: {  	[dreg:$0x3] =	wrdreg s4  }
0xa8: {  	[dreg:$0x4] =	wrdreg $0xC0  }
0xa9: {  	_ =	task [dreg:s6], $0x5FFFF  }
0xaa: {  	[dreg:$0x1] =	wrdreg $0xFFFFFFFF  }
0xab: {  	[dreg:$0x0] =	wrdreg $0x60  }
0xac: {  	[dreg:$0x2] =	wrdreg s0  }
0xad: {  	[dreg:$0x3] =	wrdreg s16  }
0xae: {  	[dreg:$0x4] =	wrdreg s22  }
0xaf: {  	[dreg:$0x5] =	wrdreg $0x9  }
0xb0: {  	_ =	task.clear_ibuf [dreg:s6], $0x6FFFF;
	_ =	strace $0x90000046  }
0xb1: {  	s26 =	simm.s32 $0x9;
	_ =	strace $0x80000048  }
0xb2: {  	_ =	swait.ge [sflag:s26], $0x1  }
0xb3: {  	[sflag:s26] =	ssyncadd.s32 $0xFFFFFFFF  }
0xb4: {  	_ =	strace $0x90000048  }
0xb5: {  	_ =	sfence  }
0xb6: {  	s28 =	sld [smem:$0x0];
	_ =	sdelay $0x1  }
0xb7: {  	s29 =	srdreg.scid  }
0xb8: {  	s30 =	sshll.u32 s29, $0xD;
	s31 =	sshrl.u32 s29, $0x2  }
0xb9: {  	s1 =	sand.u32 $0x1, s29;
	s2 =	sand.u32 $0x4000, s30;
	s0 =	sadd.s32 s31, s28  }
0xba: {  	s1 =	sor.u32 s2, s1;
	s0 =	sshll.u32 s0, $0x11  }
0xbb: {  	s0 =	sor.u32 s0, s1  }
0xbc: {  	s0 =	sadd.s32 $0x8F2B, s0  }
0xbd: {  	[sflag:s0] =	ssyncadd.remote.s32 $0x1  }
0xbe: {  	_ =	sfence.sel $0xFFFF  }
0xbf: {  	[dreg:$0x0] =	wrdreg $0xFFFFFFFF;
	(pc) =	sbr.abs _section_cstart, $3  }
0xc0: {  	[dreg:$0x1] =	wrdreg $0xFFFFFFFF  }
0xc1: {  	_ =	task.clear_ibuf [dreg:s6], $0x2FFFF;
	_ =	strace $0x9FFFFFFF  }
0xc2: {  	(tm) =	ssettm $0x7FFFFFFF  }
0xc3: {  	_ =	shalt  }
tec
execute0_lowered:
.L_overlay_start_1:
0x0: {  	(tag) =	ssettag $0x1  }
0x1: {  	v3 =	vlaneseq.u32;
	v4 =	vimm.s32 $0xB80  }
0x2: {  	vm14 =	vcmask $0x300;
	vm13 =	vcmask $0x704;
	vm12 =	vcmask $0xB08  }
0x3: {  	s0 =	stileid.u32;
	vm11 =	vcmask $0xF0C;
	vm10 =	vcmask $0x1310;
	vm8 =	vcmask $0x1714  }
0x4: {  	v6 =	vimm.s32 $0x1B80;
	vm9 =	vcmask $0x1B18;
	vm7 =	vcmask $0x1F1C;
	s1 =	sshll.u32 s0, $0x6  }
0x5: {  	vm5 =	vcmask $0x2320;
	vm3 =	vcmask $0x2724;
	vm2 =	vcmask $0x2B28;
	s1 =	smin.u32 s1, $0x360  }
0x6: {  	vm0 =	vcmask $0x2F2C;
	vm1 =	vcmask $0x3330;
	v0 =	vor.u32 $0x10, v3;
	s4 =	sor.u32 $0x1C00, s1  }
0x7: {  	v7 =	vimm.s32 $0x2B80;
	v1 =	vor.u32 s4, v0;
	v0 =	vsel vm14, $0x0, v4  }
0x8: {  	vm4 =	vcmask $0x3734;
	v4 =	vor.u32 $0x20, v3;
	v5 =	vsel vm13, $0x80, v0  }
0x9: {  	vm6 =	vcmask $0x3B38;
	v0 =	vadd.s32 s4, v4;
	v4 =	vsel vm12, $0x100, v5  }
0xa: {  	s3 =	simm.s32 $0x0;
	v6 =	vsel vm14, $0x1000, v6;
	v7 =	vsel vm14, $0x2000, v7;
	v4 =	vsel vm11, $0x180, v4  }
0xb: {  	v10 =	vadd.s32 s3, v3;
	v6 =	vsel vm13, $0x1080, v6;
	v4 =	vsel vm10, $0x200, v4  }
0xc: {  	s6 =	rddreg [dreg:$0x0];
	s29 =	simm.s32 $0x2;
	v15 =	vor.u32 $0x40, v3;
	v6 =	vsel vm12, $0x1100, v6;
	v4 =	vsel vm8, $0x280, v4  }
0xd: {  	s7 =	rddreg [dreg:$0x1];
	v28 =	vadd.s32 s29, v3;
	v6 =	vsel vm11, $0x1180, v6;
	v4 =	vsel vm9, $0x300, v4  }
0xe: {  	s5 =	rddreg [dreg:$0x2];
	v7 =	vsel vm13, $0x2080, v7;
	v6 =	vsel vm10, $0x1200, v6;
	v4 =	vsel vm7, $0x380, v4  }
0xf: {  	[smem:$0x7FF] =	sst s3;
	v11 =	vshll.u32 v10, $0x3;
	v6 =	vsel vm8, $0x1280, v6;
	v4 =	vsel vm5, $0x800, v4  }
0x10: {  	v12 =	vand.u32 $0x7F, v10;
	s1 =	rddreg [dreg:$0x3];
	s2 =	sshll.u32 s4, $0x5;
	v6 =	vsel vm9, $0x1300, v6;
	v4 =	vsel vm3, $0x880, v4  }
0x11: {  	v13 =	vand.u32 $0xFF, v10;
	_ =	strace $0x80000047;
	s8 =	sadd.s32 s7, s2;
	s2 =	simm.s32 $0x100;
	v6 =	vsel vm7, $0x1380, v6;
	v4 =	vsel vm2, $0x900, v4  }
0x12: {  	v7 =	vsel vm12, $0x2100, v7;
	[tilespmem:s2], [sflag:$0x1] =	stream.linear.gather [hbm4b:s8+s3], $0x4000, $0x38;
	v6 =	vsel vm5, $0x1800, v6;
	v4 =	vsel vm0, $0x980, v4;
	[tilespmem:$0x5200] =	vst v63  }
0x13: {  	s25 =	simm.s32 $0x2;
	v11 =	vand.u32 $0x400, v11;
	v6 =	vsel vm3, $0x1880, v6;
	v4 =	vsel vm1, $0xA00, v4  }
0x14: {  	v2 =	vor.u32 s4, v3;
	[tilespmem:s3], [sflag:$0x2] =	stream.linear.gather [hbm4b:s6+s3], $0x100, $0x38;
	v8 =	vsel vm2, $0x1900, v6;
	v4 =	vsel vm4, $0xA80, v4;
	[tilespmem:$0x5200] =	vst v63  }
0x15: {  	p0 =	sne.s32 s0, $0xF;
	v7 =	vsel vm11, $0x2180, v7;
	_ =	swait.ge [sflag:s25], $0x100;
	v6 =	vsel vm6, $0xB00, v4;
	v4 =	vsel vm0, $0x1980, v8  }
0x16: {  	v12 =	vor.u32 v12, v11;
	s8 =	simm.s32 @!p0 $0x4100;
	[sflag:s25] =	ssyncset.done $0x0;
	v8 =	vimm.s32 $0x4B80;
	v4 =	vsel vm1, $0x1A00, v4  }
0x17: {  	v7 =	vsel vm10, $0x2200, v7;
	s6 =	sadd.s32 @!p0 $0x3F400, s7;
	s7 =	simm.s32 @!p0 $0x0;
	[sflag:s25] =	ssyncadd.s32 $0xFFFFFF00;
	v8 =	vsel vm14, $0x4000, v8;
	v4 =	vsel vm4, $0x1A80, v4  }
0x18: {  	v9 =	vsel vm8, $0x2280, v7;
	[tilespmem:s8], [sflag:$0x2] =	stream.linear.gather @!p0 [hbm4b:s6+s7], $0x200, $0x38;
	v8 =	vsel vm13, $0x4080, v8;
	v7 =	vsel vm6, $0x1B00, v4;
	[tilespmem:$0x5200] =	vst v63  }
0x19: {  	s6 =	sadd.s32 @!p0 $0x80, s6;
	s8 =	simm.s32 @!p0 $0x4500;
	v4 =	vsel vm9, $0x2300, v9;
	v9 =	vimm.s32 $0x3B80;
	v8 =	vsel vm12, $0x4100, v8  }
0x1a: {  	v5 =	vor.u32 $0x30, v3;
	[tilespmem:s8], [sflag:$0x2] =	stream.linear.gather @!p0 [hbm4b:s6+s7], $0x200, $0x38;
	v9 =	vsel vm14, $0x3000, v9;
	v8 =	vsel vm11, $0x4180, v8;
	[tilespmem:$0x5200] =	vst v63  }
0x1b: {  	s6 =	simm.s32 @!p0 $0x2;
	v11 =	vor.u32 v6, v12;
	v9 =	vsel vm13, $0x3080, v9;
	v8 =	vsel vm10, $0x4200, v8  }
0x1c: {  	_ =	swait.ge @!p0 [sflag:s6], $0x400;
	v4 =	vsel vm7, $0x2380, v4;
	v9 =	vsel vm12, $0x3100, v9;
	v8 =	vsel vm8, $0x4280, v8  }
0x1d: {  	[sflag:s6] =	ssyncset.done @!p0 $0x0;
	v14 =	vor.u32 v7, v12;
	v9 =	vsel vm11, $0x3180, v9;
	v8 =	vsel vm9, $0x4300, v8  }
0x1e: {  	s26 =	simm.s32 $0x1;
	[sflag:s6] =	ssyncadd.s32 @!p0 $0xFFFFFC00;
	v4 =	vsel vm5, $0x2800, v4;
	v9 =	vsel vm10, $0x3200, v9;
	v8 =	vsel vm7, $0x4380, v8  }
0x1f: {  	_ =	swait.ge [sflag:s26], $0x4000;
	v4 =	vsel vm3, $0x2880, v4;
	v9 =	vsel vm8, $0x3280, v9;
	v8 =	vsel vm5, $0x4800, v8  }
0x20: {  	[sflag:s26] =	ssyncset.done $0x0;
	v4 =	vsel vm2, $0x2900, v4;
	v9 =	vsel vm9, $0x3300, v9;
	v8 =	vsel vm3, $0x4880, v8  }
0x21: {  	[sflag:s26] =	ssyncadd.s32 $0xFFFFC000;
	v4 =	vsel vm0, $0x2980, v4;
	v9 =	vsel vm7, $0x3380, v9;
	v8 =	vsel vm2, $0x4900, v8  }
0x22: {  	v13 =	vld.idx.msk [tilespmem:v13+s3+$0x0], $0xffff;
	v4 =	vsel vm1, $0x2A00, v4;
	v8 =	vsel vm0, $0x4980, v8;
	v9 =	vsel vm5, $0x3800, v9  }
0x23: {  	v18 =	vld.idx.msk [tilespmem:v11+s2+$0x0], $0xffff;
	v4 =	vsel vm4, $0x2A80, v4;
	v8 =	vsel vm1, $0x4A00, v8;
	v9 =	vsel vm3, $0x3880, v9  }
0x24: {  	v10 =	vsel vm6, $0x2B00, v4;
	v8 =	vsel vm4, $0x4A80, v8;
	v4 =	vsel vm2, $0x3900, v9  }
0x25: {  	v17 =	vor.u32 v10, v12;
	v8 =	vsel vm6, $0x4B00, v8;
	v16 =	vsel vm0, $0x3980, v4  }
0x26: {  	s28 =	simm.s32 $0x1;
	v19 =	vld.idx.msk [tilespmem:v14+s2+$0x0], $0xffff;
	v4 =	vadd.s32 s4, v15;
	v9 =	vor.u32 v8, v12;
	v15 =	vsel vm1, $0x3A00, v16  }
0x27: {  	v5 =	vadd.s32 s4, v5;
	v16 =	vadd.s32 s28, v3;
	v15 =	vsel vm4, $0x3A80, v15  }
0x28: {  	v18 =	vsub.f32 v18, v13;
	v11 =	vsel vm6, $0x3B00, v15;
	v15 =	vshll.u32 v16, $0x3  }
0x29: {  	v14 =	vand.u32 $0x7F, v16;
	v12 =	vor.u32 v11, v12;
	v15 =	vand.u32 $0x400, v15  }
0x2a: {  	v26 =	vmul.f32 v18, v18;
	v20 =	vand.u32 $0xFF, v16;
	v24 =	vld.idx.msk [tilespmem:v17+s2+$0x0], $0xffff;
	v14 =	vor.u32 v14, v15  }
0x2b: {  	v18 =	vimm.f32 $0.0e+00;
	v19 =	vsub.f32 v19, v13;
	v9 =	vld.idx.msk [tilespmem:v9+s2+$0x0], $0xffff;
	v25 =	vor.u32 v6, v14  }
0x2c: {  	vm0 =	vlt.u32 v4, $0x1FA4;
	vm1 =	vmxor vm1, vm1;
	v22 =	vor.u32 v7, v14  }
0x2d: {  	p0 =	seq.s32 s0, $0xF;
	v17 =	vor.u32 v10, v14;
	v15 =	vor.u32 v11, v14;
	v14 =	vor.u32 v8, v14  }
0x2e: {  	s30 =	sshll.u32 s0, $0x4;
	v27 =	vmul.f32 v19, v19;
	v19 =	vimm.f32 $0.0e+00;
	vm1 =	vmneg @p0 vm1;
	v21 =	vld.idx.msk [tilespmem:v12+s2+$0x0], $0xffff  }
0x2f: {  	s31 =	sadd.s32 s30, s5;
	vm0 =	vmand vm0, vm1;
	v16 =	vimm.f32 $0.0e+00;
	v24 =	vsub.f32 v24, v13;
	v12 =	vld.idx.msk [tilespmem:v20+s3+$0x0], $0xffff  }
0x30: {  	s5 =	sadd.s32 $0x1200, s31;
	s6 =	simm.s32 $0x3;
	s4 =	sadd.s32 $0x1400, s31;
	v20 =	vimm.f32 $0.0e+00;
	v23 =	vsub.f32 v9, v13;
	v25 =	vld.idx.msk [tilespmem:v25+s2+$0x0], $0xffff;
	v9 =	vimm.f32 $0.0e+00  }
.LBB2_1:
0x31: {  	p0 =	sne.s32 s6, $0xFF;
	v29 =	vand.u32 $0xFF, v28;
	v30 =	vshll.u32 v28, $0x3;
	v31 =	vld.idx.msk [tilespmem:v22+s2+$0x0], $0xffff;
	v16 =	vadd.f32 v26, v16;
	s7 =	smov.u32 s6;
	s6 =	sadd.s32 $0x1, s6  }
0x32: {  	v22 =	vand.u32 $0x7F, v28;
	v26 =	vand.u32 $0x400, v30;
	v28 =	vld.idx.msk [tilespmem:v14+s2+$0x0], $0xffff;
	v20 =	vadd.f32 v27, v20  }
0x33: {  	v27 =	vmul.f32 v23, v23;
	v14 =	vor.u32 v22, v26;
	v30 =	vld.idx.msk [tilespmem:v17+s2+$0x0], $0xffff;
	v26 =	vsub.f32 v21, v13  }
0x34: {  	v23 =	vmul.f32 v24, v24;
	v32 =	vor.u32 v6, v14;
	v22 =	vor.u32 v7, v14;
	v21 =	vld.idx.msk [tilespmem:v15+s2+$0x0], $0xffff  }
.Ltmp0:
0x35: {  	v17 =	vor.u32 v10, v14;
	v15 =	vor.u32 v11, v14;
	v13 =	vmovc v12;
	v24 =	vmul.f32 v26, v26;
	(pc) =	sbr.rel @p0 .LBB2_1-.Ltmp0, $4  }
0x36: {  	v14 =	vor.u32 v8, v14;
	v18 =	vadd.f32 v23, v18;
	v25 =	vsub.f32 v25, v13  }
0x37: {  	v31 =	vsub.f32 v31, v13;
	v19 =	vadd.f32 v24, v19  }
0x38: {  	v9 =	vadd.f32 v27, v9;
	v26 =	vmul.f32 v25, v25;
	v23 =	vsub.f32 v28, v13;
	v12 =	vld.idx.msk [tilespmem:v29+s3+$0x0], $0xffff  }
0x39: {  	v28 =	vadd.s32 s7, v3;
	v27 =	vmul.f32 v31, v31;
	v24 =	vsub.f32 v30, v13;
	v25 =	vld.idx.msk [tilespmem:v32+s2+$0x0], $0xffff  }
0x3a: {  	v3 =	vshll.u32 v28, $0x3  }
0x3b: {  	v29 =	vand.u32 $0x7F, v28;
	v3 =	vand.u32 $0x400, v3  }
0x3c: {  	v49 =	vand.u32 $0xFF, v28;
	v3 =	vor.u32 v29, v3  }
0x3d: {  	v6 =	vor.u32 v6, v3;
	_ =	sdelay $0x3  }
0x3e: {  	v7 =	vor.u32 v7, v3;
	v28 =	vld.idx.msk [tilespmem:v49+s3+$0x0], $0xffff  }
0x3f: {  	v6 =	vld.idx.msk [tilespmem:v6+s2+$0x0], $0xffff;
	_ =	sdelay $0x1  }
0x40: {  	v22 =	vld.idx.msk [tilespmem:v22+s2+$0x0], $0xffff  }
0x41: {  	v25 =	vsub.f32 v25, v12  }
0x42: {  	v16 =	vadd.f32 v26, v16;
	v13 =	vsub.f32 v21, v13;
	v10 =	vor.u32 v10, v3;
	v7 =	vld.idx.msk [tilespmem:v7+s2+$0x0], $0xffff  }
0x43: {  	v17 =	vld.idx.msk [tilespmem:v17+s2+$0x0], $0xffff;
	v23 =	vmul.f32 v23, v23;
	v50 =	vmul.f32 v25, v25;
	v6 =	vsub.f32 v6, v28  }
0x44: {  	vm2 =	vmmov $0xffff;
	vm3 =	vlt.u32 v2, $0x1FA4;
	vm14 =	vlt.u32 v1, $0x1FA4  }
0x45: {  	v15 =	vld.idx.msk [tilespmem:v15+s2+$0x0], $0xffff;
	v22 =	vsub.f32 v22, v12;
	v16 =	vadd.f32 v50, v16;
	v6 =	vmul.f32 v6, v6  }
0x46: {  	v20 =	vadd.f32 v27, v20;
	v24 =	vmul.f32 v24, v24;
	v11 =	vor.u32 v11, v3  }
0x47: {  	v51 =	vmul.f32 v22, v22;
	v10 =	vld.idx.msk [tilespmem:v10+s2+$0x0], $0xffff;
	v7 =	vsub.f32 v7, v28;
	v6 =	vadd.f32 v6, v16  }
0x48: {  	v13 =	vmul.f32 v13, v13;
	v18 =	vadd.f32 v24, v18;
	v52 =	vsub.f32 v17, v12  }
0x49: {  	v53 =	vadd.f32 v51, v20;
	v7 =	vmul.f32 v7, v7;
	vm1 =	veq.f32 v6, v6  }
0x4a: {  	v14 =	vld.idx.msk [tilespmem:v14+s2+$0x0], $0xffff;
	v3 =	vor.u32 v8, v3;
	v15 =	vsub.f32 v15, v12;
	vm1 =	vmand vm1, vm2  }
0x4b: {  	v8 =	vmul.f32 v52, v52;
	v7 =	vadd.f32 v7, v53;
	vm1 =	vmand vm3, vm1  }
0x4c: {  	v11 =	vld.idx.msk [tilespmem:v11+s2+$0x0], $0xffff;
	v10 =	vsub.f32 v10, v28;
	v6 =	vnsel vm1, $0x7F800000, v6;
	v54 =	vnsel vm1, $0x40000000, v2  }
0x4d: {  	v8 =	vadd.f32 v8, v18;
	vm11 =	veq.f32 v7, v6;
	vm12 =	vlt.u32 v1, v54  }
0x4e: {  	v10 =	vmul.f32 v10, v10;
	vm13 =	vlt.f32 v7, v6;
	vm1 =	vmand vm11, vm12  }
0x4f: {  	v13 =	vadd.f32 v13, v19;
	v55 =	vsub.f32 v14, v12;
	vm1 =	vmor vm13, vm1  }
0x50: {  	v56 =	vmul.f32 v15, v15;
	v8 =	vadd.f32 v10, v8;
	vm1 =	vmand vm14, vm1  }
0x51: {  	v3 =	vld.idx.msk [tilespmem:v3+s2+$0x0], $0xffff;
	v57 =	vsub.f32 v11, v28;
	v6 =	vsel vm1, v7, v6;
	v58 =	vsel vm1, v1, v54  }
0x52: {  	v59 =	vadd.f32 v56, v13;
	vm15 =	veq.f32 v8, v6;
	vm6 =	vlt.u32 v0, v58  }
0x53: {  	v60 =	vmul.f32 v57, v57;
	vm7 =	vlt.f32 v8, v6;
	vm1 =	vmand vm15, vm6  }
0x54: {  	vm8 =	vlt.u32 v0, $0x1FA4;
	v9 =	vadd.f32 v23, v9;
	vm1 =	vmor vm7, vm1  }
0x55: {  	v61 =	vmul.f32 v55, v55;
	v2 =	vadd.f32 v60, v59;
	vm1 =	vmand vm8, vm1  }
0x56: {  	v3 =	vsub.f32 v3, v28;
	v6 =	vsel vm1, v8, v6;
	v62 =	vsel vm1, v0, v58  }
0x57: {  	v63 =	vadd.f32 v61, v9;
	vm9 =	veq.f32 v2, v6;
	vm10 =	vlt.s32 v5, v62  }
0x58: {  	v3 =	vmul.f32 v3, v3;
	vm11 =	vlt.f32 v2, v6;
	vm1 =	vmand vm9, vm10  }
0x59: {  	vm12 =	vlt.u32 v5, $0x1FA4;
	vm1 =	vmor vm11, vm1  }
0x5a: {  	v1 =	vadd.f32 v3, v63;
	vm1 =	vmand vm12, vm1  }
0x5b: {  	v2 =	vsel vm1, v2, v6;
	v0 =	vsel vm1, v5, v62  }
0x5c: {  	vm13 =	veq.f32 v1, v2;
	vm14 =	vlt.s32 v4, v0  }
0x5d: {  	vm15 =	vlt.f32 v1, v2;
	vm1 =	vmand vm13, vm14  }
0x5e: {  	vm1 =	vmor vm15, vm1  }
0x5f: {  	vm0 =	vmand vm1, vm0  }
0x60: {  	v1 =	vsel vm0, v1, v2  }
0x61: {  	v0 =	vsel vm0, v4, v0;
	[tilespmem:$0x5100] =	vst v1  }
0x62: {  	s28 =	simm.s32 $0x0;
	s29 =	simm.s32 $0x5100;
	s30 =	simm.s32 $0x2;
	[tilespmem:$0x5180] =	vst v0  }
0x63: {  	[hbm4b:s5+s28] =	stream.linear.scatter [tilespmem:s29], [sflag:$0x2], $0x80, $0x38;
	[tilespmem:$0x5200] =	vst v63  }
0x64: {  	_ =	swait.ge [sflag:s30], $0x80  }
0x65: {  	[sflag:s30] =	ssyncset.done $0x0  }
0x66: {  	s31 =	simm.s32 $0x5180;
	[sflag:s30] =	ssyncadd.s32 $0xFFFFFF80  }
0x67: {  	[hbm4b:s4+s28] =	stream.linear.scatter [tilespmem:s31], [sflag:$0x2], $0x80, $0x38;
	[tilespmem:$0x5200] =	vst v63  }
0x68: {  	_ =	swait.ge [sflag:s30], $0x80  }
0x69: {  	[sflag:s30] =	ssyncset.done $0x0  }
0x6a: {  	[sflag:s30] =	ssyncadd.s32 $0xFFFFFF80  }
0x6b: {  	_ =	sfence.sel $0x180000  }
0x6c: {  	[bflag:$0x0] =	sbarrier.arrive $0xFFFF  }
0x6d: {  	p0 =	sne.s32 s0, $0x0;
	_ =	strace $0x90000047  }
0x6e: {  	s0 =	sadd.s32 @!p0 $0x100000, s1;
	[bflag:$0x2] =	sbarrier.arrive $0xFFFF  }
0x6f: {  	[sflag:s0] =	ssyncadd.tile.s32 @!p0 $0x1;
	_ =	shalt  }
.Lfunc_end2:
_tile_overlayer_lowered:
.L_overlay_start_2:
0x70: {  	(tag) =	ssettag $0x2  }
0x71: {  	s0 =	rddreg [dreg:$0x0];
	s2 =	stileid.u32  }
0x72: {  	s1 =	rddreg [dreg:$0x1];
	p0 =	sne.s32 s2, $0x0  }
0x73: {  	s3 =	rddreg [dreg:$0x2];
	[bflag:$0x3] =	sbarrier.arrive $0xFFFF;
	s2 =	simm.s32 @!p0 $0x1C02  }
0x74: {  	[timem:s3], [sflag:s2] =	dma.local @!p0 [hbm:s0], s1  }
0x75: {  	s0 =	simm.s32 @!p0 $0x2  }
0x76: {  	_ =	swait.ge @!p0 [sflag:s0], s1  }
0x77: {  	s1 =	ssub.s32 @!p0 $0x0, s1;
	[sflag:s0] =	ssyncset.done @!p0 $0x0  }
0x78: {  	[sflag:s0] =	ssyncadd.s32 @!p0 s1  }
0x79: {  	[bflag:$0x3] =	sbarrier.arrive $0xFFFF  }
0x7a: {  	_ =	shalt  }

</sc_bundles>
